<compile_context>
chip_gen: v7x
topology: tpu7x:2x2x1
jax: 0.10.2.dev20260603
libtpu: 0.0.44.dev20260713+nightly
codegen_flags: <defaults>
</compile_context>

<pallas_src>
import functools

import numpy as np

import jax
import jax.numpy as jnp
from jax import lax
from jax.experimental import pallas as pl
from jax.experimental.pallas import tpu as pltpu
from jax.experimental.pallas import tpu_sc as plsc

VOCAB = 151936
D_MODEL = 2048
HEAD_DIM = 128
ROPE_THETA = 1000000.0
B = 2
S = 4096
TOK = B * S
NC, NS = 2, 16
NW = NC * NS
TOK_PER_W = TOK // NW
CHUNK = 32
NCHUNK = TOK_PER_W // CHUNK

MIN_F32 = float(jnp.finfo(jnp.float32).min)
BAND = 128
NBAND = S // BAND

_INV_FREQ = 1.0 / (ROPE_THETA ** (
    np.arange(0, HEAD_DIM, 2, dtype=np.float32) / HEAD_DIM))
_INV_FULL = np.concatenate([_INV_FREQ, _INV_FREQ])[None, :]


def _sc_gather(ids, table):
    mesh = plsc.VectorSubcoreMesh(
        core_axis_name="c", subcore_axis_name="s",
        num_cores=NC, num_subcores=NS)

    @functools.partial(
        pl.kernel,
        out_type=jax.ShapeDtypeStruct((TOK, D_MODEL), jnp.float32),
        mesh=mesh,
        scratch_types=[
            pltpu.VMEM((TOK_PER_W,), jnp.int32),
            pltpu.VMEM((CHUNK, D_MODEL), jnp.float32),
            pltpu.SemaphoreType.DMA,
        ],
    )
    def gather_kernel(ids_hbm, table_hbm, out_hbm, idx_v, buf, gsem):
        wid = lax.axis_index("s") * NC + lax.axis_index("c")
        base = wid * TOK_PER_W
        b = wid // (NW // B)
        off = (wid % (NW // B)) * TOK_PER_W
        pltpu.sync_copy(ids_hbm.at[b, pl.ds(off, TOK_PER_W)], idx_v)

        def chunk_body(c, carry):
            start = pl.multiple_of(c * CHUNK, CHUNK)
            pltpu.async_copy(
                table_hbm.at[idx_v.at[pl.ds(start, CHUNK)]], buf, gsem
            ).wait()
            pltpu.sync_copy(buf, out_hbm.at[pl.ds(base + start, CHUNK)])
            return carry

        lax.fori_loop(0, NCHUNK, chunk_body, 0)

    return gather_kernel(ids, table)


def _const_body(invf_ref, mask_ref, cos_ref, sin_ref, pos_ref):
    i = pl.program_id(0)
    row = i * BAND + lax.broadcasted_iota(jnp.int32, (BAND, S), 0)
    col = lax.broadcasted_iota(jnp.int32, (BAND, S), 1)
    m = jnp.where(col <= row, jnp.float32(0.0), jnp.float32(MIN_F32))
    mask_ref[0, 0] = m
    mask_ref[1, 0] = m
    pos = i * BAND + lax.broadcasted_iota(jnp.int32, (BAND, HEAD_DIM), 0)
    freqs = pos.astype(jnp.float32) * invf_ref[...]
    cos_ref[0] = jnp.cos(freqs)
    sin_ref[0] = jnp.sin(freqs)
    pos_ref[...] = i * BAND + lax.broadcasted_iota(jnp.int32, (1, BAND), 1)


def _make_consts():
    return pl.pallas_call(
        _const_body,
        grid=(NBAND,),
        in_specs=[pl.BlockSpec((1, HEAD_DIM), lambda i: (0, 0))],
        out_specs=(
            pl.BlockSpec((B, 1, BAND, S), lambda i: (0, 0, i, 0)),
            pl.BlockSpec((1, BAND, HEAD_DIM), lambda i: (0, i, 0)),
            pl.BlockSpec((1, BAND, HEAD_DIM), lambda i: (0, i, 0)),
            pl.BlockSpec((1, BAND), lambda i: (0, i)),
        ),
        out_shape=(
            jax.ShapeDtypeStruct((B, 1, S, S), jnp.float32),
            jax.ShapeDtypeStruct((1, S, HEAD_DIM), jnp.float32),
            jax.ShapeDtypeStruct((1, S, HEAD_DIM), jnp.float32),
            jax.ShapeDtypeStruct((1, S), jnp.int32),
        ),
    )(jnp.asarray(_INV_FULL))


def kernel(input_ids, embed_table):
    embeds = _sc_gather(input_ids, embed_table).reshape(B, S, D_MODEL)
    causal_mask, cos, sin, position_ids = _make_consts()
    return (embeds, causal_mask, position_ids, cos, sin)

# --- scband reference (transcript-rebuilt; emitter-appended) ---
"""Pipeline reference for scband-qwen3-for-causal-lmprefix-59004260712798 (READ-ONLY COPY).

The authoritative reference and input builder live on the scoring server;
editing this copy changes nothing except your own understanding.
"""

import jax, jax.numpy as jnp
import numpy as np

VOCAB = 151936
D_MODEL = 2048
HEAD_DIM = 128
ROPE_THETA = 1000000.0
B = 2
S = 4096


def setup_inputs(seed: int = 0) -> dict:
    key = jax.random.key(seed)
    k1, k2 = jax.random.split(key)
    input_ids = jax.random.randint(k1, (B, S), 0, VOCAB, dtype=jnp.int32)
    embed_table = jax.random.normal(k2, (VOCAB, D_MODEL), dtype=jnp.float32) * 0.02
    return {"input_ids": input_ids, "embed_table": embed_table}


def _rotary_emb(position_ids):
    # Qwen3 default rope: inv_freq = 1 / theta^(2i/d), attention_scaling = 1.0
    inv_freq = 1.0 / (ROPE_THETA ** (jnp.arange(0, HEAD_DIM, 2, dtype=jnp.float32) / HEAD_DIM))
    freqs = position_ids.astype(jnp.float32)[:, :, None] * inv_freq[None, None, :]
    emb = jnp.concatenate([freqs, freqs], axis=-1)
    cos = jnp.cos(emb)
    sin = jnp.sin(emb)
    return cos, sin


def reference(input_ids, embed_table):
    # inputs_embeds = self.embed_tokens(input_ids)  -> table gather
    inputs_embeds = jnp.take(embed_table, input_ids, axis=0)
    # cache_position / position_ids defaults (no past kv cache)
    cache_position = jnp.arange(S, dtype=jnp.int32)
    position_ids = cache_position[None, :]
    # create_causal_mask: full additive causal mask [B, 1, S, S]
    min_val = jnp.finfo(jnp.float32).min
    i = jnp.arange(S)[:, None]
    j = jnp.arange(S)[None, :]
    mask2d = jnp.where(j <= i, jnp.float32(0.0), min_val)
    causal_mask = jnp.broadcast_to(mask2d[None, None, :, :], (B, 1, S, S))
    # position_embeddings = self.rotary_emb(hidden_states, position_ids)
    cos, sin = _rotary_emb(position_ids)
    hidden_states = inputs_embeds
    return (hidden_states, causal_mask, position_ids, cos, sin)

if __name__ == "__main__":
    import jax
    _d = setup_inputs()
    print(jax.jit(kernel)(*tuple(_d.values())))

</pallas_src>

<mosaic_0001>
#map = affine_map<(d0, d1) -> (0, 0)>
module attributes {stable_mosaic.version = 14 : i64} {
  func.func @gather_kernel(%arg0: i32, %arg1: i32, %arg2: memref<2x4096xi32, #tpu.memory_space<hbm>>, %arg3: memref<151936x2048xf32, #tpu.memory_space<hbm>>, %arg4: memref<8192x2048xf32, #tpu.memory_space<hbm>>, %arg5: memref<256xi32, #tpu.memory_space<vmem>>, %arg6: memref<32x2048xf32, #tpu.memory_space<vmem>>, %arg7: memref<!tpu.dma_semaphore, #tpu.memory_space<semaphore_mem>>) attributes {dimension_semantics = [#tpu.dimension_semantics<core_parallel>, #tpu.dimension_semantics<subcore_parallel>], iteration_bounds = array<i64: 2, 16>, scalar_prefetch = 0 : i64, scratch_operands = 3 : i64, tpu.core_type = #tpu.core_type<sc_vector_subcore>, window_params = [{transform_indices = #map}, {transform_indices = #map}, {transform_indices = #map}]} {
    %mul3A = arith.constant 2 : i32
    %mul3A_0 = arith.muli %arg1, %mul3A : i32
    %add3A = arith.addi %mul3A_0, %arg0 : i32
    %mul3A_1 = arith.constant 256 : i32
    %mul3A_2 = arith.muli %add3A, %mul3A_1 : i32
    %jit3A = arith.constant 16 : i32
    %div3A = arith.divsi %add3A, %jit3A : i32
    %sign3A = arith.constant 0 : i32
    %sign3A_3 = arith.cmpi sgt, %add3A, %sign3A : i32
    %sign3A_4 = arith.extui %sign3A_3 : i1 to i32
    %sign3A_5 = arith.constant 0 : i32
    %sign3A_6 = arith.cmpi slt, %add3A, %sign3A_5 : i32
    %sign3A_7 = arith.extui %sign3A_6 : i1 to i32
    %sign3A_8 = arith.subi %sign3A_4, %sign3A_7 : i32
    %sign3A_9 = arith.constant 0 : i32
    %sign3A_10 = arith.cmpi sgt, %jit3A, %sign3A_9 : i32
    %sign3A_11 = arith.extui %sign3A_10 : i1 to i32
    %sign3A_12 = arith.constant 0 : i32
    %sign3A_13 = arith.cmpi slt, %jit3A, %sign3A_12 : i32
    %sign3A_14 = arith.extui %sign3A_13 : i1 to i32
    %sign3A_15 = arith.subi %sign3A_11, %sign3A_14 : i32
    %ne3A = arith.cmpi ne, %sign3A_8, %sign3A_15 : i32
    %rem3A = arith.remsi %add3A, %jit3A : i32
    %ne3A_16 = arith.constant 0 : i32
    %ne3A_17 = arith.cmpi ne, %rem3A, %ne3A_16 : i32
    %and3A = arith.andi %ne3A, %ne3A_17 : i1
    %sub3A = arith.constant 1 : i32
    %sub3A_18 = arith.subi %div3A, %sub3A : i32
    %select_n3A = arith.select %and3A, %sub3A_18, %div3A : i32
    %jit3A_19 = arith.constant 16 : i32
    %eq3A = arith.constant 0 : i32
    %eq3A_20 = arith.cmpi eq, %jit3A_19, %eq3A : i32
    %jit3A_21 = arith.constant 1 : i32
    %select_n3A_22 = arith.select %eq3A_20, %jit3A_21, %jit3A_19 : i32
    %rem3A_23 = arith.remsi %add3A, %select_n3A_22 : i32
    %ne3A_24 = arith.constant 0 : i32
    %ne3A_25 = arith.cmpi ne, %rem3A_23, %ne3A_24 : i32
    %lt3A = arith.constant 0 : i32
    %lt3A_26 = arith.cmpi slt, %rem3A_23, %lt3A : i32
    %lt3A_27 = arith.constant 0 : i32
    %lt3A_28 = arith.cmpi slt, %select_n3A_22, %lt3A_27 : i32
    %ne3A_29 = arith.xori %lt3A_26, %lt3A_28 : i1
    %and3A_30 = arith.andi %ne3A_29, %ne3A_25 : i1
    %add3A_31 = arith.addi %rem3A_23, %select_n3A_22 : i32
    %select_n3A_32 = arith.select %and3A_30, %add3A_31, %rem3A_23 : i32
    %mul3A_33 = arith.constant 256 : i32
    %mul3A_34 = arith.muli %select_n3A_32, %mul3A_33 : i32
    "tpu.region"() ({
      %run_scoped3A = tpu.sem_alloc : memref<!tpu.dma_semaphore, #tpu.memory_space<semaphore_mem>>
      %dma_start3A = tpu.memref_slice %arg2[%select_n3A, %mul3A_34] : memref<2x4096xi32, #tpu.memory_space<hbm>> -> memref<1x256xi32, #tpu.memory_space<hbm>>
      %dma_start3A_40 = tpu.memref_squeeze %dma_start3A : memref<1x256xi32, #tpu.memory_space<hbm>> -> memref<256xi32, #tpu.memory_space<hbm>>
      %dma_start3A_41 = tpu.memref_slice %arg2[%select_n3A, %mul3A_34] : memref<2x4096xi32, #tpu.memory_space<hbm>> -> memref<1x256xi32, #tpu.memory_space<hbm>>
      %dma_start3A_42 = tpu.memref_squeeze %dma_start3A_41 : memref<1x256xi32, #tpu.memory_space<hbm>> -> memref<256xi32, #tpu.memory_space<hbm>>
      tpu.enqueue_dma source(%dma_start3A_42 : memref<256xi32, #tpu.memory_space<hbm>>) target(%arg5 : memref<256xi32, #tpu.memory_space<vmem>>) target_semaphore(%run_scoped3A : memref<!tpu.dma_semaphore, #tpu.memory_space<semaphore_mem>>)
      %dma_wait3A = tpu.memref_slice %arg2[%select_n3A, %mul3A_34] : memref<2x4096xi32, #tpu.memory_space<hbm>> -> memref<1x256xi32, #tpu.memory_space<hbm>>
      %dma_wait3A_43 = tpu.memref_squeeze %dma_wait3A : memref<1x256xi32, #tpu.memory_space<hbm>> -> memref<256xi32, #tpu.memory_space<hbm>>
      %dma_wait3A_44 = tpu.memref_slice %arg2[%select_n3A, %mul3A_34] : memref<2x4096xi32, #tpu.memory_space<hbm>> -> memref<1x256xi32, #tpu.memory_space<hbm>>
      %dma_wait3A_45 = tpu.memref_squeeze %dma_wait3A_44 : memref<1x256xi32, #tpu.memory_space<hbm>> -> memref<256xi32, #tpu.memory_space<hbm>>
      tpu.wait_dma2 semaphore(%run_scoped3A : memref<!tpu.dma_semaphore, #tpu.memory_space<semaphore_mem>>) src(%dma_wait3A_45 : memref<256xi32, #tpu.memory_space<hbm>>) dst(%arg5 : memref<256xi32, #tpu.memory_space<vmem>>)
      tpu.yield
    }) : () -> ()
    %scan3A = arith.constant 0 : i32
    %scan3A_35 = arith.constant 0 : i32
    %scan3A_36 = arith.constant 8 : i32
    %scan3A_37 = arith.addi %scan3A_35, %scan3A_36 : i32
    %scan3A_38 = arith.constant 1 : i32
    scf.for %scan3A_40 = %scan3A_35 to %scan3A_37 step %scan3A_38  : i32 {
      %mul3A_41 = arith.constant 32 : i32
      %mul3A_42 = arith.muli %scan3A_40, %mul3A_41 : i32
      %multiple_of3A = tpu.assume_multiple %mul3A_42, 32 : i32
      %dma_start3A = tpu.memref_slice %arg5[%multiple_of3A] : memref<256xi32, #tpu.memory_space<vmem>> -> memref<32xi32, #tpu.memory_space<vmem>>
      %dma_start3A_43 = arith.constant 0 : i32
      %dma_start3A_44 = arith.constant 0 : i32
      %dma_start3A_45 = tpu.memref_slice %arg3[%dma_start3A_43, %dma_start3A_44] : memref<151936x2048xf32, #tpu.memory_space<hbm>> -> memref<151936x2048xf32, #tpu.memory_space<hbm>>
      tpu.enqueue_indirect_dma source(%dma_start3A_45 : memref<151936x2048xf32, #tpu.memory_space<hbm>>) target(%arg6 : memref<32x2048xf32, #tpu.memory_space<vmem>>) offsets(%dma_start3A : memref<32xi32, #tpu.memory_space<vmem>>) semaphore(%arg7 : memref<!tpu.dma_semaphore, #tpu.memory_space<semaphore_mem>>)
      %dma_wait3A = tpu.memref_slice %arg5[%multiple_of3A] : memref<256xi32, #tpu.memory_space<vmem>> -> memref<32xi32, #tpu.memory_space<vmem>>
      %dma_wait3A_46 = arith.constant 0 : i32
      %dma_wait3A_47 = arith.constant 0 : i32
      %dma_wait3A_48 = tpu.memref_slice %arg3[%dma_wait3A_46, %dma_wait3A_47] : memref<151936x2048xf32, #tpu.memory_space<hbm>> -> memref<151936x2048xf32, #tpu.memory_space<hbm>>
      tpu.wait_indirect_dma semaphore(%arg7 : memref<!tpu.dma_semaphore, #tpu.memory_space<semaphore_mem>>) src(%dma_wait3A_48 : memref<151936x2048xf32, #tpu.memory_space<hbm>>) dst(%arg6 : memref<32x2048xf32, #tpu.memory_space<vmem>>)
      %add3A_49 = arith.addi %mul3A_2, %multiple_of3A : i32
      "tpu.region"() ({
        %run_scoped3A = tpu.sem_alloc : memref<!tpu.dma_semaphore, #tpu.memory_space<semaphore_mem>>
        %dma_start3A_50 = arith.constant 0 : i32
        %dma_start3A_51 = tpu.memref_slice %arg4[%add3A_49, %dma_start3A_50] : memref<8192x2048xf32, #tpu.memory_space<hbm>> -> memref<32x2048xf32, #tpu.memory_space<hbm>>
        %dma_start3A_52 = arith.constant 0 : i32
        %dma_start3A_53 = tpu.memref_slice %arg4[%add3A_49, %dma_start3A_52] : memref<8192x2048xf32, #tpu.memory_space<hbm>> -> memref<32x2048xf32, #tpu.memory_space<hbm>>
        tpu.enqueue_dma source(%arg6 : memref<32x2048xf32, #tpu.memory_space<vmem>>) target(%dma_start3A_53 : memref<32x2048xf32, #tpu.memory_space<hbm>>) target_semaphore(%run_scoped3A : memref<!tpu.dma_semaphore, #tpu.memory_space<semaphore_mem>>)
        %dma_wait3A_54 = arith.constant 0 : i32
        %dma_wait3A_55 = tpu.memref_slice %arg4[%add3A_49, %dma_wait3A_54] : memref<8192x2048xf32, #tpu.memory_space<hbm>> -> memref<32x2048xf32, #tpu.memory_space<hbm>>
        %dma_wait3A_56 = arith.constant 0 : i32
        %dma_wait3A_57 = tpu.memref_slice %arg4[%add3A_49, %dma_wait3A_56] : memref<8192x2048xf32, #tpu.memory_space<hbm>> -> memref<32x2048xf32, #tpu.memory_space<hbm>>
        tpu.wait_dma2 semaphore(%run_scoped3A : memref<!tpu.dma_semaphore, #tpu.memory_space<semaphore_mem>>) src(%arg6 : memref<32x2048xf32, #tpu.memory_space<vmem>>) dst(%dma_wait3A_57 : memref<32x2048xf32, #tpu.memory_space<hbm>>)
        tpu.yield
      }) : () -> ()
    }
    %scan3A_39 = arith.constant 8 : i32
    return
  }
}

module attributes {stable_mosaic.version = 14 : i64} {
  func.func @_const_body(%arg0: i32, %arg1: memref<1x128xf32, #tpu.memory_space<vmem>>, %arg2: memref<2x1x128x4096xf32, #tpu.memory_space<vmem>>, %arg3: memref<1x128x128xf32, #tpu.memory_space<vmem>>, %arg4: memref<1x128x128xf32, #tpu.memory_space<vmem>>, %arg5: memref<1x128xi32, #tpu.memory_space<vmem>>) attributes {dimension_semantics = [#tpu.dimension_semantics<arbitrary>], iteration_bounds = array<i64: 32>, scalar_prefetch = 0 : i64, scratch_operands = 0 : i64, tpu.core_type = #tpu.core_type<tc>, window_params = [{pipeline_mode = #tpu.pipeline_mode<synchronous>, transform_indices = @transform_0, window_bounds = array<i64: 1, 128>}, {transform_indices = @transform_1, window_bounds = array<i64: 2, 1, 128, 4096>}, {transform_indices = @transform_2, window_bounds = array<i64: 1, 128, 128>}, {transform_indices = @transform_3, window_bounds = array<i64: 1, 128, 128>}, {transform_indices = @transform_4, window_bounds = array<i64: 1, 128>}]} {
    %mul3A = arith.constant 128 : i32
    %mul3A_0 = arith.muli %arg0, %mul3A : i32
    %iota3A = tpu.iota {dimensions = array<i32: 0>} : vector<128x4096xi32>
    %add3A = vector.broadcast %mul3A_0 : i32 to vector<128x4096xi32>
    %add3A_1 = arith.addi %add3A, %iota3A : vector<128x4096xi32>
    %iota3A_2 = tpu.iota {dimensions = array<i32: 1>} : vector<128x4096xi32>
    %le3A = arith.cmpi sle, %iota3A_2, %add3A_1 : vector<128x4096xi32>
    %jit3A = arith.constant 0.000000e+00 : f32
    %jit3A_3 = arith.constant -3.40282347E+38 : f32
    %broadcast_in_dim3A = vector.broadcast %jit3A : f32 to vector<128x4096xf32>
    %broadcast_in_dim3A_4 = vector.broadcast %jit3A_3 : f32 to vector<128x4096xf32>
    %select_n3A = arith.select %le3A, %broadcast_in_dim3A, %broadcast_in_dim3A_4 : vector<128x4096xi1>, vector<128x4096xf32>
    %swap3A = arith.constant 0 : index
    %swap3A_5 = arith.constant 0 : index
    %swap3A_6 = arith.constant 0 : index
    %swap3A_7 = arith.constant 0 : index
    %swap3A_8 = vector.load %arg2[%swap3A, %swap3A_5, %swap3A_6, %swap3A_7] : memref<2x1x128x4096xf32, #tpu.memory_space<vmem>>, vector<1x1x128x4096xf32>
    %swap3A_9 = vector.shape_cast %swap3A_8 : vector<1x1x128x4096xf32> to vector<128x4096xf32>
    %swap3A_10 = vector.shape_cast %select_n3A : vector<128x4096xf32> to vector<1x1x128x4096xf32>
    tpu.vector_store %arg2[%swap3A, %swap3A_5, %swap3A_6, %swap3A_7], %swap3A_10 {strides = array<i32>} : memref<2x1x128x4096xf32, #tpu.memory_space<vmem>>, vector<1x1x128x4096xf32>,
    %swap3A_11 = arith.constant 1 : index
    %swap3A_12 = arith.constant 0 : index
    %swap3A_13 = arith.constant 0 : index
    %swap3A_14 = arith.constant 0 : index
    %swap3A_15 = vector.load %arg2[%swap3A_11, %swap3A_12, %swap3A_13, %swap3A_14] : memref<2x1x128x4096xf32, #tpu.memory_space<vmem>>, vector<1x1x128x4096xf32>
    %swap3A_16 = vector.shape_cast %swap3A_15 : vector<1x1x128x4096xf32> to vector<128x4096xf32>
    %swap3A_17 = vector.shape_cast %select_n3A : vector<128x4096xf32> to vector<1x1x128x4096xf32>
    tpu.vector_store %arg2[%swap3A_11, %swap3A_12, %swap3A_13, %swap3A_14], %swap3A_17 {strides = array<i32>} : memref<2x1x128x4096xf32, #tpu.memory_space<vmem>>, vector<1x1x128x4096xf32>,
    %mul3A_18 = arith.constant 128 : i32
    %mul3A_19 = arith.muli %arg0, %mul3A_18 : i32
    %iota3A_20 = tpu.iota {dimensions = array<i32: 0>} : vector<128x128xi32>
    %add3A_21 = vector.broadcast %mul3A_19 : i32 to vector<128x128xi32>
    %add3A_22 = arith.addi %add3A_21, %iota3A_20 : vector<128x128xi32>
    %convert_element_type3A = arith.sitofp %add3A_22 : vector<128x128xi32> to vector<128x128xf32>
    %get3A = arith.constant 0 : index
    %get3A_23 = arith.constant 0 : index
    %get3A_24 = vector.load %arg1[%get3A, %get3A_23] : memref<1x128xf32, #tpu.memory_space<vmem>>, vector<1x128xf32>
    %mul3A_25 = vector.broadcast %get3A_24 : vector<1x128xf32> to vector<128x128xf32>
    %mul3A_26 = arith.mulf %convert_element_type3A, %mul3A_25 : vector<128x128xf32>
    %cos3A = math.cos %mul3A_26 : vector<128x128xf32>
    %swap3A_27 = arith.constant 0 : index
    %swap3A_28 = arith.constant 0 : index
    %swap3A_29 = arith.constant 0 : index
    %swap3A_30 = vector.load %arg3[%swap3A_27, %swap3A_28, %swap3A_29] : memref<1x128x128xf32, #tpu.memory_space<vmem>>, vector<1x128x128xf32>
    %swap3A_31 = vector.shape_cast %swap3A_30 : vector<1x128x128xf32> to vector<128x128xf32>
    %swap3A_32 = vector.shape_cast %cos3A : vector<128x128xf32> to vector<1x128x128xf32>
    tpu.vector_store %arg3[%swap3A_27, %swap3A_28, %swap3A_29], %swap3A_32 {strides = array<i32>} : memref<1x128x128xf32, #tpu.memory_space<vmem>>, vector<1x128x128xf32>,
    %sin3A = math.sin %mul3A_26 : vector<128x128xf32>
    %swap3A_33 = arith.constant 0 : index
    %swap3A_34 = arith.constant 0 : index
    %swap3A_35 = arith.constant 0 : index
    %swap3A_36 = vector.load %arg4[%swap3A_33, %swap3A_34, %swap3A_35] : memref<1x128x128xf32, #tpu.memory_space<vmem>>, vector<1x128x128xf32>
    %swap3A_37 = vector.shape_cast %swap3A_36 : vector<1x128x128xf32> to vector<128x128xf32>
    %swap3A_38 = vector.shape_cast %sin3A : vector<128x128xf32> to vector<1x128x128xf32>
    tpu.vector_store %arg4[%swap3A_33, %swap3A_34, %swap3A_35], %swap3A_38 {strides = array<i32>} : memref<1x128x128xf32, #tpu.memory_space<vmem>>, vector<1x128x128xf32>,
    %mul3A_39 = arith.constant 128 : i32
    %mul3A_40 = arith.muli %arg0, %mul3A_39 : i32
    %iota3A_41 = tpu.iota {dimensions = array<i32: 1>} : vector<1x128xi32>
    %add3A_42 = vector.broadcast %mul3A_40 : i32 to vector<1x128xi32>
    %add3A_43 = arith.addi %add3A_42, %iota3A_41 : vector<1x128xi32>
    %swap3A_44 = arith.constant 0 : index
    %swap3A_45 = arith.constant 0 : index
    %swap3A_46 = vector.load %arg5[%swap3A_44, %swap3A_45] : memref<1x128xi32, #tpu.memory_space<vmem>>, vector<1x128xi32>
    tpu.vector_store %arg5[%swap3A_44, %swap3A_45], %add3A_43 {strides = array<i32>} : memref<1x128xi32, #tpu.memory_space<vmem>>, vector<1x128xi32>,
    return
  }
  func.func @transform_0(%arg0: i32) -> (i32, i32) {
    %c0_i32 = arith.constant 0 : i32
    %c0_i32_0 = arith.constant 0 : i32
    %c0_i32_1 = arith.constant 0 : i32
    return %c0_i32, %c0_i32_0 : i32, i32
  }
  func.func @transform_1(%arg0: i32) -> (i32, i32, i32, i32) {
    %c0_i32 = arith.constant 0 : i32
    %c0_i32_0 = arith.constant 0 : i32
    %c0_i32_1 = arith.constant 0 : i32
    %c0_i32_2 = arith.constant 0 : i32
    return %c0_i32, %c0_i32_0, %arg0, %c0_i32_1 : i32, i32, i32, i32
  }
  func.func @transform_2(%arg0: i32) -> (i32, i32, i32) {
    %c0_i32 = arith.constant 0 : i32
    %c0_i32_0 = arith.constant 0 : i32
    %c0_i32_1 = arith.constant 0 : i32
    return %c0_i32, %arg0, %c0_i32_0 : i32, i32, i32
  }
  func.func @transform_3(%arg0: i32) -> (i32, i32, i32) {
    %c0_i32 = arith.constant 0 : i32
    %c0_i32_0 = arith.constant 0 : i32
    %c0_i32_1 = arith.constant 0 : i32
    return %c0_i32, %arg0, %c0_i32_0 : i32, i32, i32
  }
  func.func @transform_4(%arg0: i32) -> (i32, i32) {
    %c0_i32 = arith.constant 0 : i32
    %c0_i32_0 = arith.constant 0 : i32
    return %c0_i32, %arg0 : i32, i32
  }
}

</mosaic_0001>

<sc_bundles>
// kernel: kernel.4.cloned.1.call-start
scs
__scs_entry_jumppad:
0x0: {  	(pc) =	sbr.rel $0x88, $3  }
0x1: {  	(tag) =	ssettag $0x0;
	lr =	simm.s32 $0x1  }
0x2: {  	[smem:$0x3F9F] =	sst lr;
	_ =	strace $0xD0000000  }
0x3: {  	_ = 	snop  }
0x4: {  	_ = 	snop  }
0x5: {  	_ = 	snop  }
0x6: {  	_ = 	snop  }
0x7: {  	_ = 	snop  }
__scs_overlays_trampoline_lowered:
0x8: {  	[smem:$0x3FAE] =	sst s0  }
0x9: {  	[smem:$0x3FAF] =	sst s1  }
0xa: {  	[smem:$0x3FB0] =	sst s2  }
0xb: {  	[smem:$0x3FB1] =	sst s3  }
0xc: {  	[smem:$0x3FB2] =	sst s4  }
0xd: {  	[smem:$0x3FB3] =	sst s5  }
0xe: {  	[smem:$0x3FB4] =	sst s6  }
0xf: {  	[smem:$0x3FB5] =	sst s7  }
0x10: {  	[smem:$0x3FB6] =	sst s8  }
0x11: {  	[smem:$0x3FB7] =	sst s9;
	s0 =	simm.s32 @!p0 $0x0  }
0x12: {  	s1 =	sld [smem:$0x3F9D];
	s0 =	simm.s32 @p0 $0x1  }
0x13: {  	[smem:$0x3FB8] =	sst s0;
	s0 =	simm.s32 @!p1 $0x0  }
0x14: {  	s2 =	sld [smem:$0x3F9C];
	s0 =	simm.s32 @p1 $0x1  }
0x15: {  	[smem:$0x3FB9] =	sst s0;
	s0 =	simm.s32 @!p2 $0x0  }
0x16: {  	s3 =	sld [smem:$0x3FDB];
	s0 =	simm.s32 @p2 $0x1  }
0x17: {  	s4 =	simm.s32 $0x1BF5;
	[smem:$0x3FBB] =	sst s0  }
0x18: {  	s0 =	sld [smem:$0x3F9E];
	_ =	swait.ge [sflag:s4], $0x0  }
0x19: {  	s7 =	sld [smem:$0x3F9F]  }
0x1a: {  	s8 =	sadd.s32 $0xFFFFE003, lr  }
0x1b: {  	s9 =	sadd.s32 $0xFFFFFEF7, lr;
	s5 =	simm.s32 $0xFFFFFFFF;
	p2 =	slt.u32 s8, $0xFFFFF086  }
0x1c: {  	p1 =	slt.u32 s9, $0xF7A;
	s5 =	simm.s32 @!p2 $0x0  }
0x1d: {  	s5 =	simm.s32 @p1 $0x1;
	p0 =	seq.s32 s7, s2  }
0x1e: {  	s7 =	smul.u32 @!p0 $0xF7A, s2;
	p2 =	seq.s32 @!p0 s5, $0x0  }
0x1f: {  	s9 =	smul.u32 $0xF7A, s1;
	s8 =	simm.s32 @!p0 $0x1BF5;
	p2 =	por !p2, p0  }
0x20: {  	[sflag:s8] =	ssyncset.s32 @!p0 $0xFFFFF086;
	s6 =	sadd.s32 @!p0 s3, s7;
	s7 =	simm.s32 @!p0 $0x108  }
0x21: {  	s3 =	sadd.s32 s3, s9;
	s6 =	sadd.s32 @!p0 $0x88, s6;
	s7 =	simm.s32 @p2 $0x1082  }
0x22: {  	[simem:s7], [sflag:s8] =	dma.local @!p0 [hbm:s6], $0xF7A  }
0x23: {  	s9 =	sor.u32 $0xD0000000, s2;
	s6 =	simm.s32 $0x108;
	_ =	swait.ge @!p0 [sflag:s8], $0x0  }
0x24: {  	s3 =	sadd.s32 $0x88, s3;
	s6 =	simm.s32 @!p1 $0x1082;
	[sflag:s4] =	ssyncset.s32 $0xFFFFF086  }
0x25: {  	[simem:s6], [sflag:s4] =	dma.local [hbm:s3], $0xF7A  }
0x26: {  	[smem:$0x3F9F] =	sst s1;
	(tag) =	ssettag s2;
	_ =	strace s9  }
0x27: {  	s1 =	sld [smem:$0x3FAF]  }
0x28: {  	s2 =	sld [smem:$0x3FB0]  }
0x29: {  	s4 =	sld [smem:$0x3FB2]  }
0x2a: {  	p0 =	seq.s32 s5, $0x0;
	s5 =	sld [smem:$0x3FB3]  }
0x2b: {  	s6 =	sld [smem:$0x3FB4]  }
0x2c: {  	s7 =	sld [smem:$0x3FB5]  }
0x2d: {  	s3 =	simm.s32 $0x108;
	s8 =	sld [smem:$0x3FB6]  }
0x2e: {  	s3 =	simm.s32 @!p0 $0x1082;
	s9 =	sld [smem:$0x3FB7]  }
0x2f: {  	lr =	sadd.s32 s0, s3;
	s0 =	sld [smem:$0x3FAE]  }
0x30: {  	s3 =	sld [smem:$0x3FB1]  }
0x31: {  	[smem:$0x3FBA] =	sst s10  }
0x32: {  	s10 =	sld [smem:$0x3FB8];
	_ =	sdelay $0x3  }
0x33: {  	p0 =	seq.s32 s10, $0x1;
	s10 =	sld [smem:$0x3FBA];
	_ =	sdelay $0x3  }
0x34: {  	[smem:$0x3FBA] =	sst s10  }
0x35: {  	s10 =	sld [smem:$0x3FB9];
	_ =	sdelay $0x3  }
0x36: {  	p1 =	seq.s32 s10, $0x1;
	s10 =	sld [smem:$0x3FBA];
	_ =	sdelay $0x3  }
0x37: {  	[smem:$0x3FBA] =	sst s10  }
0x38: {  	s10 =	sld [smem:$0x3FBB]  }
0x39: {  	_ = 	snop;
	(pc) =	sbr.ind lr, $3  }
0x3a: {  	_ = 	snop  }
0x3b: {  	_ = 	snop  }
0x3c: {  	p2 =	seq.s32 s10, $0x1;
	s10 =	sld [smem:$0x3FBA]  }
0x3d: {  	_ =	shalt  }
0x3e: {  	_ =	shalt  }
0x3f: {  	_ =	shalt  }
0x40: {  	_ =	shalt  }
0x41: {  	_ =	shalt  }
0x42: {  	_ =	shalt  }
0x43: {  	_ =	shalt  }
0x44: {  	_ =	shalt  }
0x45: {  	_ =	shalt  }
0x46: {  	_ =	shalt  }
0x47: {  	_ =	shalt  }
0x48: {  	_ =	shalt  }
0x49: {  	_ =	shalt  }
0x4a: {  	_ =	shalt  }
0x4b: {  	_ =	shalt  }
0x4c: {  	_ =	shalt  }
0x4d: {  	_ =	shalt  }
0x4e: {  	_ =	shalt  }
0x4f: {  	_ =	shalt  }
0x50: {  	_ =	shalt  }
0x51: {  	_ =	shalt  }
0x52: {  	_ =	shalt  }
0x53: {  	_ =	shalt  }
0x54: {  	_ =	shalt  }
0x55: {  	_ =	shalt  }
0x56: {  	_ =	shalt  }
0x57: {  	_ =	shalt  }
0x58: {  	_ =	shalt  }
0x59: {  	_ =	shalt  }
0x5a: {  	_ =	shalt  }
0x5b: {  	_ =	shalt  }
0x5c: {  	_ =	shalt  }
0x5d: {  	_ =	shalt  }
0x5e: {  	_ =	shalt  }
0x5f: {  	_ =	shalt  }
0x60: {  	_ =	shalt  }
0x61: {  	_ =	shalt  }
0x62: {  	_ =	shalt  }
0x63: {  	_ =	shalt  }
0x64: {  	_ =	shalt  }
0x65: {  	_ =	shalt  }
0x66: {  	_ =	shalt  }
0x67: {  	_ =	shalt  }
0x68: {  	_ =	shalt  }
0x69: {  	_ =	shalt  }
0x6a: {  	_ =	shalt  }
0x6b: {  	_ =	shalt  }
0x6c: {  	_ =	shalt  }
0x6d: {  	_ =	shalt  }
0x6e: {  	_ =	shalt  }
0x6f: {  	_ =	shalt  }
0x70: {  	_ =	shalt  }
0x71: {  	_ =	shalt  }
0x72: {  	_ =	shalt  }
0x73: {  	_ =	shalt  }
0x74: {  	_ =	shalt  }
0x75: {  	_ =	shalt  }
0x76: {  	_ =	shalt  }
0x77: {  	_ =	shalt  }
0x78: {  	_ =	shalt  }
0x79: {  	_ =	shalt  }
0x7a: {  	_ =	shalt  }
0x7b: {  	_ =	shalt  }
0x7c: {  	_ =	shalt  }
0x7d: {  	_ =	shalt  }
0x7e: {  	_ =	shalt  }
0x7f: {  	_ =	shalt  }
0x80: {  	_ =	shalt  }
0x81: {  	_ =	shalt  }
0x82: {  	_ =	shalt  }
0x83: {  	_ =	shalt  }
0x84: {  	_ =	shalt  }
0x85: {  	_ =	shalt  }
0x86: {  	_ =	shalt  }
0x87: {  	_ =	shalt  }
.Lfunc_end0:
.L_simem_size_0:
called_computation_lowered:
.L_overlay_start_0:
0x88: {  	s2 =	sld [smem:$0x3FD9]  }
0x89: {  	s3 =	sld [smem:$0x3FFE];
	_ =	sdelay $0x1  }
0x8a: {  	s1 =	srdreg.scid  }
0x8b: {  	s0 =	sand.u32 $0x1, s1  }
0x8c: {  	s15 =	sshll.u32 s0, $0xA;
	s2 =	sadd.s32 s3, s2  }
0x8d: {  	s2 =	sadd.s32 s2, s15  }
0x8e: {  	[smem:$0x3FC6] =	sst s2  }
0x8f: {  	_ = 	snop  }
0x90: {  	s2 =	sld [smem:$0x3FD0];
	_ =	sdelay $0x1  }
0x91: {  	s16 =	sld [smem:$0x3FC9]  }
0x92: {  	s5 =	simm.s32 $0xA;
	s6 =	simm.s32 $0x10;
	s4 =	sld [smem:$0x3FC8]  }
0x93: {  	[smem:s6], [sflag:s5] =	dma.local [hbm:s2], $0x1  }
0x94: {  	_ =	swait.eq [sflag:s5], $0x1  }
0x95: {  	[sflag:s5] =	ssyncset.done $0x0  }
0x96: {  	[sflag:s5] =	ssyncadd.s32 $0xFFFFFFFF  }
0x97: {  	s17 =	sld [smem:$0x10];
	(tm) =	ssettm $0x1  }
0x98: {  	s18 =	sld [smem:$0x3FFB];
	_ =	sdelay $0x3  }
0x99: {  	_ =	strace s18  }
0x9a: {  	s5 =	sld [smem:$0x3FFC];
	_ =	sdelay $0x3  }
0x9b: {  	_ =	strace s5  }
0x9c: {  	s5 =	sld [smem:$0x3FFD];
	_ =	sdelay $0x3  }
0x9d: {  	_ =	strace s5  }
0x9e: {  	_ =	strace $0x8FFFFFFF  }
0x9f: {  	s19 =	sld [smem:$0x3FDB];
	_ =	sdelay $0x1  }
0xa0: {  	s20 =	simm.s32 $_scs_section_size  }
0xa1: {  	s7 =	simm.s32 $_size__tile_overlayer_lowered;
	s8 =	simm.s32 $_tile_overlayer_lowered  }
0xa2: {  	s23 =	simm.s32 $0x1BFF;
	s22 =	sshll.u32 s8, $0x1;
	s5 =	sadd.s32 s20, s19  }
0xa3: {  	s9 =	simm.s32 $0x0;
	s21 =	sshll.u32 s7, $0x1;
	s7 =	sadd.s32 s22, s5  }
0xa4: {  	[timem:s9], [sflag:s23] =	dma.local [hbm:s7], s21  }
0xa5: {  	_ =	swait.ge [sflag:s23], s21  }
0xa6: {  	s6 =	ssub.s32 $0x0, s21;
	[sflag:s23] =	ssyncset.done $0x0  }
0xa7: {  	[sflag:s23] =	ssyncadd.s32 s6;
	_ =	sdelay $0x1  }
0xa8: {  	s24 =	simm.s32 $0x1B8B  }
0xa9: {  	_ =	swait.ge [sflag:s24], $0x1  }
0xaa: {  	[sflag:s24] =	ssyncset.done $0x0  }
0xab: {  	s25 =	simm.s32 $0x1B8E;
	[sflag:s24] =	ssyncadd.s32 $0xFFFFFFFF  }
0xac: {  	s26 =	simm.s32 $execute0_lowered;
	[smem:$0x3FD2] =	sst s25  }
0xad: {  	s6 =	sshll.u32 s26, $0x1;
	_ =	strace $0x80000046;
	[dreg:$0x1] =	wrdreg $0xFFFFFFFF  }
0xae: {  	s28 =	simm.s32 $_size_execute0_lowered;
	s5 =	sadd.s32 s5, s6;
	[dreg:$0x0] =	wrdreg $0x0  }
0xaf: {  	s6 =	sshll.u32 s28, $0x1;
	[dreg:$0x2] =	wrdreg s5  }
0xb0: {  	[dreg:$0x3] =	wrdreg s6  }
0xb1: {  	[dreg:$0x4] =	wrdreg $0xC0  }
0xb2: {  	_ =	task [dreg:s9], $0x5FFFF  }
0xb3: {  	[dreg:$0x1] =	wrdreg $0xFFFFFFFF  }
0xb4: {  	[dreg:$0x0] =	wrdreg $0x60  }
0xb5: {  	[dreg:$0x2] =	wrdreg s16  }
0xb6: {  	[dreg:$0x3] =	wrdreg s4  }
0xb7: {  	[dreg:$0x4] =	wrdreg s17  }
0xb8: {  	[dreg:$0x5] =	wrdreg $0x9  }
0xb9: {  	_ =	task.clear_ibuf [dreg:s9], $0x6FFFF;
	_ =	strace $0x90000046  }
0xba: {  	s29 =	simm.s32 $0x9;
	_ =	strace $0x80000048  }
0xbb: {  	_ =	swait.ge [sflag:s29], $0x1  }
0xbc: {  	[sflag:s29] =	ssyncadd.s32 $0xFFFFFFFF  }
0xbd: {  	_ =	strace $0x90000048  }
0xbe: {  	_ =	sfence  }
0xbf: {  	s30 =	sld [smem:$0x0];
	_ =	sdelay $0x2  }
0xc0: {  	s31 =	sshll.u32 s1, $0xD;
	s1 =	sshrl.u32 s1, $0x2  }
0xc1: {  	s3 =	sand.u32 $0x4000, s31;
	s1 =	sadd.s32 s1, s30  }
0xc2: {  	s0 =	sor.u32 s3, s0;
	s1 =	sshll.u32 s1, $0x11  }
0xc3: {  	s0 =	sor.u32 s1, s0  }
0xc4: {  	s0 =	sadd.s32 $0x8F2B, s0  }
0xc5: {  	[sflag:s0] =	ssyncadd.remote.s32 $0x1  }
0xc6: {  	_ =	sfence.sel $0xFFFF  }
0xc7: {  	[dreg:$0x0] =	wrdreg $0xFFFFFFFF;
	(pc) =	sbr.abs _section_cstart, $3  }
0xc8: {  	[dreg:$0x1] =	wrdreg $0xFFFFFFFF  }
0xc9: {  	_ =	task.clear_ibuf [dreg:s9], $0x2FFFF;
	_ =	strace $0x9FFFFFFF  }
0xca: {  	(tm) =	ssettm $0x7FFFFFFF  }
0xcb: {  	_ =	shalt  }
tec
execute0_lowered:
.L_overlay_start_1:
0x0: {  	(tag) =	ssettag $0x1  }
0x1: {  	s0 =	rddreg [dreg:$0x0]  }
0x2: {  	s2 =	rddreg [dreg:$0x1]  }
0x3: {  	s1 =	rddreg [dreg:$0x2]  }
0x4: {  	s3 =	srdreg.scid;
	s13 =	stileid.u32  }
0x5: {  	s9 =	simm.s32 $0x1100;
	s10 =	simm.s32 $0x1900;
	s11 =	simm.s32 $0x2100  }
0x6: {  	s14 =	simm.s32 $0x2900;
	s4 =	sand.u32 $0x1, s3;
	s3 =	simm.s32 $0x0  }
0x7: {  	s15 =	simm.s32 $0x3100;
	s16 =	simm.s32 $0x3900;
	[smem:$0x7FF] =	sst s3  }
0x8: {  	s17 =	simm.s32 $0x4100;
	_ =	strace $0x80000047;
	[dreg:$0x5] =	wrdreg s9  }
0x9: {  	s18 =	simm.s32 $0x4900;
	s19 =	simm.s32 $0x5100;
	[dreg:$0x6] =	wrdreg s10  }
0xa: {  	s20 =	simm.s32 $0x5900;
	s21 =	simm.s32 $0x6100;
	[dreg:$0x7] =	wrdreg s11  }
0xb: {  	s22 =	simm.s32 $0x6900;
	s23 =	simm.s32 $0x7100;
	[dreg:$0x8] =	wrdreg s14  }
0xc: {  	s24 =	simm.s32 $0x7900;
	s25 =	simm.s32 $0x8100;
	[dreg:$0x9] =	wrdreg s15  }
0xd: {  	s26 =	simm.s32 $0x8900;
	s28 =	simm.s32 $0xE100;
	[dreg:$0xa] =	wrdreg s16  }
0xe: {  	s29 =	simm.s32 $0xE900;
	s30 =	simm.s32 $0xF100;
	[dreg:$0xb] =	wrdreg s17  }
0xf: {  	s31 =	simm.s32 $0xF900;
	s6 =	sshll.u32 s13, $0x1;
	[dreg:$0xc] =	wrdreg s18  }
0x10: {  	s13 =	sshll.u32 s13, $0x11;
	s5 =	ssub.s32 $0x2, s4;
	[dreg:$0xd] =	wrdreg s19  }
0x11: {  	s8 =	sor.u32 s4, s6;
	s6 =	sand.u32 $0x10, s6;
	[dreg:$0xe] =	wrdreg s20  }
0x12: {  	s1 =	sadd.s32 s13, s1;
	s4 =	sshll.u32 s4, $0x10;
	[dreg:$0xf] =	wrdreg s21  }
0x13: {  	s7 =	sshrl.u32 s5, $0x1;
	s0 =	sadd.s32 s0, s6;
	[dreg:$0x10] =	wrdreg s22  }
0x14: {  	s6 =	sadd.s32 $0x200, s2;
	s9 =	sadd.s32 $0x500, s2;
	[dreg:$0x11] =	wrdreg s23  }
0x15: {  	s10 =	sadd.s32 $0x600, s2;
	s11 =	sadd.s32 $0x700, s2;
	[dreg:$0x12] =	wrdreg s24  }
0x16: {  	s1 =	sadd.s32 s4, s1;
	s15 =	simm.s32 $0x100;
	[dreg:$0x13] =	wrdreg s25  }
0x17: {  	s16 =	simm.s32 $0x2;
	[dreg:$0x14] =	wrdreg s26;
	s17 =	simm.s32 $0x9100  }
0x18: {  	s18 =	simm.s32 $0x9900;
	s19 =	simm.s32 $0xA100;
	s20 =	simm.s32 $0xA900  }
0x19: {  	s21 =	simm.s32 $0xB100;
	s22 =	simm.s32 $0xB900;
	s23 =	simm.s32 $0xC100  }
0x1a: {  	s24 =	simm.s32 $0xC900;
	s25 =	simm.s32 $0xD100;
	s26 =	simm.s32 $0xD900  }
0x1b: {  	s4 =	simm.s32 $0x0;
	s12 =	ssub.s32 s5, s7;
	s7 =	sshll.u32 s8, $0x6  }
0x1c: {  	s8 =	simm.s32 $0x900;
	[dreg:$0x17] =	wrdreg s1;
	s5 =	sand.u32 $0x3C0, s7  }
0x1d: {  	v2 =	vlaneseq.u32;
	[dreg:$0x4] =	wrdreg s8;
	s7 =	sadd.s32 $0x300, s2;
	s12 =	smax.u32 s12, $0x1  }
0x1e: {  	vm0 =	vmmov $0xffff;
	v1 =	vshrl.u32 v2, $0x3;
	s8 =	sadd.s32 $0x400, s2;
	s0 =	sadd.s32 s5, s0;
	[dreg:$0x16] =	wrdreg s12  }
0x1f: {  	v0 =	vand.u32 $0x7, v2;
	v2 =	vor.u32 $0x8, v2;
	v1 =	vmul.u32 $0x8, v1;
	s5 =	sadd.s32 $0x100, s2;
	[dreg:$0x15] =	wrdreg s0;
	s0 =	simm.s32 $0x1  }
.LBB2_1:
0x20: {  	[dreg:$0x18] =	wrdreg s4  }
0x21: {  	s1 =	rddreg [dreg:$0x15];
	s14 =	simm.s32 $0x80  }
0x22: {  	[tilespmem:s3], [sflag:$0x2] =	stream.strided.gather [hbm4b:s1+s14], $0x100, s15, s14, $0x38;
	[tilespmem:$0x10100] =	vst v63  }
0x23: {  	_ =	swait.ge [sflag:s16], $0x100  }
0x24: {  	[sflag:s16] =	ssyncset.done $0x0  }
0x25: {  	s4 =	simm.s32 $0x0;
	s13 =	rddreg [dreg:$0x17];
	[sflag:s16] =	ssyncadd.s32 $0xFFFFFF00  }
.LBB2_2:
0x26: {  	s12 =	sshra.s32 s4, $0x2  }
0x27: {  	v3 =	vld [tilespmem:s12+$0x0];
	_ =	sdelay $0x4  }
0x28: {  	v4 =	vshll.u32 v3, $0x4  }
0x29: {  	v3 =	vand.u32 $0x7, v3;
	v4 =	vand.u32 $0xFFFFFF80, v4  }
0x2a: {  	v3 =	vor.u32 v3, v4  }
0x2b: {  	v4 =	vperm.xlane v3, v0;
	_ =	sdelay $0x1  }
0x2c: {  	v4 =	vadd.s32 v1, v4;
	_ =	sdelay $0x4  }
0x2d: {  	[tilespmem:s15], [sflag:$0x1] =	stream.indirect_vreg.gather [hbm4b:s2+s3], $0x80, v4, vm0, $0xb8;
	[tilespmem:$0x10100] =	vst v63  }
0x2e: {  	s14 =	rddreg [dreg:$0x4]  }
0x2f: {  	[tilespmem:s14], [sflag:$0x1] =	stream.indirect_vreg.gather [hbm4b:s5+s3], $0x80, v4, vm0, $0xb8;
	[tilespmem:$0x10100] =	vst v63  }
0x30: {  	s1 =	rddreg [dreg:$0x5]  }
0x31: {  	[tilespmem:s1], [sflag:$0x1] =	stream.indirect_vreg.gather [hbm4b:s6+s3], $0x80, v4, vm0, $0xb8;
	[tilespmem:$0x10100] =	vst v63  }
0x32: {  	s14 =	rddreg [dreg:$0x6]  }
0x33: {  	[tilespmem:s14], [sflag:$0x1] =	stream.indirect_vreg.gather [hbm4b:s7+s3], $0x80, v4, vm0, $0xb8;
	[tilespmem:$0x10100] =	vst v63  }
0x34: {  	s1 =	rddreg [dreg:$0x7]  }
0x35: {  	[tilespmem:s1], [sflag:$0x1] =	stream.indirect_vreg.gather [hbm4b:s8+s3], $0x80, v4, vm0, $0xb8;
	[tilespmem:$0x10100] =	vst v63  }
0x36: {  	v3 =	vperm.xlane v3, v2;
	s14 =	rddreg [dreg:$0x8]  }
0x37: {  	[tilespmem:s14], [sflag:$0x1] =	stream.indirect_vreg.gather [hbm4b:s9+s3], $0x80, v4, vm0, $0xb8;
	[tilespmem:$0x10100] =	vst v63  }
0x38: {  	v3 =	vadd.s32 v1, v3;
	s1 =	rddreg [dreg:$0x9]  }
0x39: {  	[tilespmem:s1], [sflag:$0x1] =	stream.indirect_vreg.gather [hbm4b:s10+s3], $0x80, v4, vm0, $0xb8;
	[tilespmem:$0x10100] =	vst v63  }
0x3a: {  	s14 =	rddreg [dreg:$0xa]  }
0x3b: {  	[tilespmem:s14], [sflag:$0x1] =	stream.indirect_vreg.gather [hbm4b:s11+s3], $0x80, v4, vm0, $0xb8;
	[tilespmem:$0x10100] =	vst v63  }
0x3c: {  	s1 =	rddreg [dreg:$0xb]  }
0x3d: {  	[tilespmem:s1], [sflag:$0x1] =	stream.indirect_vreg.gather [hbm4b:s2+s3], $0x80, v3, vm0, $0xb8;
	[tilespmem:$0x10100] =	vst v63  }
0x3e: {  	s14 =	rddreg [dreg:$0xc]  }
0x3f: {  	[tilespmem:s14], [sflag:$0x1] =	stream.indirect_vreg.gather [hbm4b:s5+s3], $0x80, v3, vm0, $0xb8;
	[tilespmem:$0x10100] =	vst v63  }
0x40: {  	s1 =	rddreg [dreg:$0xd]  }
0x41: {  	[tilespmem:s1], [sflag:$0x1] =	stream.indirect_vreg.gather [hbm4b:s6+s3], $0x80, v3, vm0, $0xb8;
	[tilespmem:$0x10100] =	vst v63  }
0x42: {  	s14 =	rddreg [dreg:$0xe]  }
0x43: {  	[tilespmem:s14], [sflag:$0x1] =	stream.indirect_vreg.gather [hbm4b:s7+s3], $0x80, v3, vm0, $0xb8;
	[tilespmem:$0x10100] =	vst v63  }
0x44: {  	s1 =	rddreg [dreg:$0xf]  }
0x45: {  	[tilespmem:s1], [sflag:$0x1] =	stream.indirect_vreg.gather [hbm4b:s8+s3], $0x80, v3, vm0, $0xb8;
	[tilespmem:$0x10100] =	vst v63  }
0x46: {  	s14 =	rddreg [dreg:$0x10]  }
0x47: {  	[tilespmem:s14], [sflag:$0x1] =	stream.indirect_vreg.gather [hbm4b:s9+s3], $0x80, v3, vm0, $0xb8;
	[tilespmem:$0x10100] =	vst v63  }
0x48: {  	s1 =	rddreg [dreg:$0x11]  }
0x49: {  	[tilespmem:s1], [sflag:$0x1] =	stream.indirect_vreg.gather [hbm4b:s10+s3], $0x80, v3, vm0, $0xb8;
	[tilespmem:$0x10100] =	vst v63  }
0x4a: {  	s14 =	rddreg [dreg:$0x12]  }
0x4b: {  	[tilespmem:s14], [sflag:$0x1] =	stream.indirect_vreg.gather [hbm4b:s11+s3], $0x80, v3, vm0, $0xb8;
	[tilespmem:$0x10100] =	vst v63  }
0x4c: {  	v3 =	vld [tilespmem:s12+$0x10];
	_ =	sdelay $0x4  }
0x4d: {  	v63 =	vshll.u32 v3, $0x4  }
0x4e: {  	v3 =	vand.u32 $0x7, v3;
	v4 =	vand.u32 $0xFFFFFF80, v63  }
0x4f: {  	v3 =	vor.u32 v3, v4  }
0x50: {  	v4 =	vperm.xlane v3, v0;
	_ =	sdelay $0x1  }
0x51: {  	v4 =	vadd.s32 v1, v4;
	_ =	sdelay $0x3  }
0x52: {  	s12 =	rddreg [dreg:$0x13]  }
0x53: {  	[tilespmem:s12], [sflag:$0x1] =	stream.indirect_vreg.gather [hbm4b:s2+s3], $0x80, v4, vm0, $0xb8;
	[tilespmem:$0x10100] =	vst v63  }
0x54: {  	s14 =	rddreg [dreg:$0x14]  }
0x55: {  	[tilespmem:s14], [sflag:$0x1] =	stream.indirect_vreg.gather [hbm4b:s5+s3], $0x80, v4, vm0, $0xb8;
	[tilespmem:$0x10100] =	vst v63  }
0x56: {  	_ = 	snop  }
0x57: {  	[tilespmem:s17], [sflag:$0x1] =	stream.indirect_vreg.gather [hbm4b:s6+s3], $0x80, v4, vm0, $0xb8;
	[tilespmem:$0x10100] =	vst v63  }
0x58: {  	_ = 	snop  }
0x59: {  	[tilespmem:s18], [sflag:$0x1] =	stream.indirect_vreg.gather [hbm4b:s7+s3], $0x80, v4, vm0, $0xb8;
	[tilespmem:$0x10100] =	vst v63  }
0x5a: {  	_ = 	snop  }
0x5b: {  	[tilespmem:s19], [sflag:$0x1] =	stream.indirect_vreg.gather [hbm4b:s8+s3], $0x80, v4, vm0, $0xb8;
	[tilespmem:$0x10100] =	vst v63  }
0x5c: {  	v3 =	vperm.xlane v3, v2  }
0x5d: {  	[tilespmem:s20], [sflag:$0x1] =	stream.indirect_vreg.gather [hbm4b:s9+s3], $0x80, v4, vm0, $0xb8;
	[tilespmem:$0x10100] =	vst v63  }
0x5e: {  	v3 =	vadd.s32 v1, v3  }
0x5f: {  	[tilespmem:s21], [sflag:$0x1] =	stream.indirect_vreg.gather [hbm4b:s10+s3], $0x80, v4, vm0, $0xb8;
	[tilespmem:$0x10100] =	vst v63  }
0x60: {  	_ = 	snop  }
0x61: {  	[tilespmem:s22], [sflag:$0x1] =	stream.indirect_vreg.gather [hbm4b:s11+s3], $0x80, v4, vm0, $0xb8;
	[tilespmem:$0x10100] =	vst v63  }
0x62: {  	_ = 	snop  }
0x63: {  	[tilespmem:s23], [sflag:$0x1] =	stream.indirect_vreg.gather [hbm4b:s2+s3], $0x80, v3, vm0, $0xb8;
	[tilespmem:$0x10100] =	vst v63  }
0x64: {  	_ = 	snop  }
0x65: {  	[tilespmem:s24], [sflag:$0x1] =	stream.indirect_vreg.gather [hbm4b:s5+s3], $0x80, v3, vm0, $0xb8;
	[tilespmem:$0x10100] =	vst v63  }
0x66: {  	_ = 	snop  }
0x67: {  	[tilespmem:s25], [sflag:$0x1] =	stream.indirect_vreg.gather [hbm4b:s6+s3], $0x80, v3, vm0, $0xb8;
	[tilespmem:$0x10100] =	vst v63  }
0x68: {  	_ = 	snop  }
0x69: {  	[tilespmem:s26], [sflag:$0x1] =	stream.indirect_vreg.gather [hbm4b:s7+s3], $0x80, v3, vm0, $0xb8;
	[tilespmem:$0x10100] =	vst v63  }
0x6a: {  	_ = 	snop  }
0x6b: {  	[tilespmem:s28], [sflag:$0x1] =	stream.indirect_vreg.gather [hbm4b:s8+s3], $0x80, v3, vm0, $0xb8;
	[tilespmem:$0x10100] =	vst v63  }
0x6c: {  	_ = 	snop  }
0x6d: {  	[tilespmem:s29], [sflag:$0x1] =	stream.indirect_vreg.gather [hbm4b:s9+s3], $0x80, v3, vm0, $0xb8;
	[tilespmem:$0x10100] =	vst v63  }
0x6e: {  	_ = 	snop  }
0x6f: {  	[tilespmem:s30], [sflag:$0x1] =	stream.indirect_vreg.gather [hbm4b:s10+s3], $0x80, v3, vm0, $0xb8;
	[tilespmem:$0x10100] =	vst v63  }
0x70: {  	_ = 	snop  }
0x71: {  	[tilespmem:s31], [sflag:$0x1] =	stream.indirect_vreg.gather [hbm4b:s11+s3], $0x80, v3, vm0, $0xb8;
	[tilespmem:$0x10100] =	vst v63  }
0x72: {  	_ =	swait.ge [sflag:s0], $0x10000  }
0x73: {  	p0 =	sne.s32 s4, $0x380;
	[sflag:s0] =	ssyncset.done $0x0  }
.Ltmp0:
0x74: {  	[sflag:s0] =	ssyncadd.s32 $0xFFFF0000;
	(pc) =	sbr.rel @p0 .LBB2_2-.Ltmp0, $4  }
0x75: {  	[hbm4b:s13+s3] =	stream.linear.scatter [tilespmem:s15], [sflag:$0x2], $0x10000, $0x38;
	[tilespmem:$0x10100] =	vst v63  }
0x76: {  	_ =	swait.ge [sflag:s16], $0x10000  }
0x77: {  	[sflag:s16] =	ssyncset.done $0x0  }
0x78: {  	s4 =	sadd.s32 $0x80, s4;
	s13 =	sadd.s32 $0x2000, s13;
	[sflag:s16] =	ssyncadd.s32 $0xFFFF0000  }
0x79: {  	s4 =	rddreg [dreg:$0x18]  }
0x7a: {  	s1 =	rddreg [dreg:$0x16];
	s4 =	sadd.s32 $0x1, s4  }
0x7b: {  	p0 =	sne.s32 s4, s1  }
.Ltmp1:
0x7c: {  	_ = 	snop;
	(pc) =	sbr.rel @p0 .LBB2_1-.Ltmp1, $1  }
0x7d: {  	_ =	sdelay $0x3  }
0x7e: {  	_ =	sfence.sel $0x180000  }
0x7f: {  	[bflag:$0x0] =	sbarrier.arrive $0xFFFF  }
0x80: {  	_ =	strace $0x90000047  }
0x81: {  	s0 =	stileid.u32;
	[bflag:$0x2] =	sbarrier.arrive $0xFFFF  }
0x82: {  	p0 =	sne.s32 s0, $0x0;
	s0 =	rddreg [dreg:$0x3]  }
0x83: {  	s0 =	sadd.s32 @!p0 $0x100000, s0  }
0x84: {  	[sflag:s0] =	ssyncadd.tile.s32 @!p0 $0x1;
	_ =	shalt  }
.Lfunc_end2:
_tile_overlayer_lowered:
.L_overlay_start_2:
0x85: {  	(tag) =	ssettag $0x2  }
0x86: {  	s0 =	rddreg [dreg:$0x0];
	s2 =	stileid.u32  }
0x87: {  	s1 =	rddreg [dreg:$0x1];
	p0 =	sne.s32 s2, $0x0  }
0x88: {  	s3 =	rddreg [dreg:$0x2];
	[bflag:$0x3] =	sbarrier.arrive $0xFFFF;
	s2 =	simm.s32 @!p0 $0x1C02  }
0x89: {  	[timem:s3], [sflag:s2] =	dma.local @!p0 [hbm:s0], s1  }
0x8a: {  	s0 =	simm.s32 @!p0 $0x2  }
0x8b: {  	_ =	swait.ge @!p0 [sflag:s0], s1  }
0x8c: {  	s1 =	ssub.s32 @!p0 $0x0, s1;
	[sflag:s0] =	ssyncset.done @!p0 $0x0  }
0x8d: {  	[sflag:s0] =	ssyncadd.s32 @!p0 s1  }
0x8e: {  	[bflag:$0x3] =	sbarrier.arrive $0xFFFF  }
0x8f: {  	_ =	shalt  }

</sc_bundles>
